<compile_context>
chip_gen: v7x
topology: tpu7x:2x2x1
jax: 0.10.2.dev20260603
libtpu: 0.0.44.dev20260713+nightly
codegen_flags: <defaults>
</compile_context>

<pallas_src>
import jax
import jax.numpy as jnp
from jax import lax
from jax.experimental import pallas as pl
from jax.experimental.pallas import tpu as pltpu
from jax.experimental.pallas import tpu_sc as plsc

_N = 50000
_E = 800000
_DIN = 128
_DH = 64
_HF = 32
_NG = 512
_NS = 16
_CW = 125
_RE = _E // _CW
_RET = _RE // _NS
_STN = _N // _NS
_RN = _N // _CW
_RNT = _RN // _NS
_K = 5
_KP = 8


def _sc_mesh():
    return plsc.VectorSubcoreMesh(core_axis_name="c", subcore_axis_name="s")


def _prep_body(dst_rs, dinv_out, degacc, ones_t, idx, stripe_t, ssem):
    c = lax.axis_index("c")
    s = lax.axis_index("s")

    def fill_ones(i, carry):
        ones_t[i, :] = jnp.full((16,), 1.0, jnp.float32)
        return carry
    lax.fori_loop(0, _CW, fill_ones, 0)

    @pl.when(c == 0)
    def _():
        def init(i, carry):
            pltpu.sync_copy(ones_t, degacc.at[pl.ds(s * _STN + i * _CW, _CW)])
            return carry
        lax.fori_loop(0, _STN // _CW, init, 0)

    plsc.subcore_barrier()

    @pl.when(c == 0)
    def _():
        def chunk(cc, carry):
            r0 = s * _RET + cc * _KP
            pltpu.sync_copy(dst_rs.at[pl.ds(r0, _KP)], idx)
            for j in range(_KP):
                pltpu.async_copy(ones_t, degacc.at[idx.at[j]], ssem,
                                 add=True)
            for j in range(_KP):
                pltpu.make_async_copy(ones_t, degacc.at[idx.at[j]],
                                      ssem).wait()
            return carry
        lax.fori_loop(0, _RET // _KP, chunk, 0)

    plsc.subcore_barrier()

    @pl.when(c == 0)
    def _():
        pltpu.sync_copy(degacc.at[pl.ds(s * _STN, _STN)], stripe_t)

        def newton(i, carry):
            d = stripe_t[i, :]
            bits = plsc.bitcast(d, jnp.int32)
            y = plsc.bitcast(jnp.int32(0x5F3759DF) - (bits >> 1), jnp.float32)
            hd = d * 0.5
            y = y * (1.5 - hd * y * y)
            y = y * (1.5 - hd * y * y)
            y = y * (1.5 - hd * y * y)
            stripe_t[i, :] = y
            return carry
        lax.fori_loop(0, _STN, newton, 0)
        pltpu.sync_copy(stripe_t, dinv_out.at[pl.ds(s * _STN, _STN)])


@jax.jit
def _prep(dst_rs):
    f = pl.kernel(
        _prep_body,
        out_type=jax.ShapeDtypeStruct((_N, 16), jnp.float32),
        mesh=_sc_mesh(),
        compiler_params=pltpu.CompilerParams(use_tc_tiling_on_sc=False, needs_layout_passes=False),
        scratch_types=[
            pltpu.VMEM_SHARED((_N, 16), jnp.float32),
            pltpu.VMEM((_CW, 16), jnp.float32),
            pltpu.VMEM((_KP, _CW), jnp.int32),
            pltpu.VMEM((_STN, 16), jnp.float32),
            pltpu.SemaphoreType.DMA,
        ],
    )
    return f(dst_rs)


def _agg_body(g_lo, g_hi, src_rs, dst_rs, out_lo, out_hi,
              acc, idx_g, idx_s, rows, gsem, ssem, isem):
    c = lax.axis_index("c")
    s = lax.axis_index("s")

    @pl.when(c == 0)
    def _():
        pltpu.sync_copy(g_lo.at[pl.ds(s * _STN, _STN)],
                        acc.at[pl.ds(s * _STN, _STN)])

    @pl.when(c == 1)
    def _():
        pltpu.sync_copy(g_hi.at[pl.ds(s * _STN, _STN)],
                        acc.at[pl.ds(s * _STN, _STN)])
    plsc.subcore_barrier()

    def edge_loop(table):
        base = s * _RET
        nchunk = _RET // _K
        pltpu.async_copy(src_rs.at[pl.ds(base, _K)], idx_g.at[0], isem)
        pltpu.async_copy(dst_rs.at[pl.ds(base, _K)], idx_s.at[0], isem)

        def chunk(cc, carry):
            cur = lax.rem(cc, 2)
            nxt = lax.rem(cc + 1, 2)
            pltpu.make_async_copy(src_rs.at[pl.ds(base, _K)],
                                  idx_g.at[cur], isem).wait()
            pltpu.make_async_copy(dst_rs.at[pl.ds(base, _K)],
                                  idx_s.at[cur], isem).wait()

            @pl.when(cc + 1 < nchunk)
            def _():
                r1 = base + (cc + 1) * _K
                pltpu.async_copy(src_rs.at[pl.ds(r1, _K)], idx_g.at[nxt],
                                 isem)
                pltpu.async_copy(dst_rs.at[pl.ds(r1, _K)], idx_s.at[nxt],
                                 isem)
            for j in range(_K):
                pltpu.async_copy(table.at[idx_g.at[cur, j]], rows.at[j], gsem)
            for j in range(_K):
                pltpu.make_async_copy(table.at[idx_g.at[cur, j]], rows.at[j],
                                      gsem).wait()
                pltpu.async_copy(rows.at[j], acc.at[idx_s.at[cur, j]], ssem,
                                 add=True)
            for j in range(_K):
                pltpu.make_async_copy(rows.at[j], acc.at[idx_s.at[cur, j]],
                                      ssem).wait()
            return carry
        lax.fori_loop(0, nchunk, chunk, 0)

    @pl.when(c == 0)
    def _():
        edge_loop(g_lo)

    @pl.when(c == 1)
    def _():
        edge_loop(g_hi)

    plsc.subcore_barrier()

    @pl.when(c == 0)
    def _():
        pltpu.sync_copy(acc.at[pl.ds(s * _STN, _STN)],
                        out_lo.at[pl.ds(s * _STN, _STN)])

    @pl.when(c == 1)
    def _():
        pltpu.sync_copy(acc.at[pl.ds(s * _STN, _STN)],
                        out_hi.at[pl.ds(s * _STN, _STN)])


@jax.jit
def _agg(g_lo, g_hi, src_rs, dst_rs):
    f = pl.kernel(
        _agg_body,
        out_type=(jax.ShapeDtypeStruct((_N, _HF), jnp.float32),
                  jax.ShapeDtypeStruct((_N, _HF), jnp.float32)),
        mesh=_sc_mesh(),
        compiler_params=pltpu.CompilerParams(use_tc_tiling_on_sc=False, needs_layout_passes=False),
        scratch_types=[
            pltpu.VMEM_SHARED((_N, _HF), jnp.float32),
            pltpu.VMEM((2, _K, _CW), jnp.int32),
            pltpu.VMEM((2, _K, _CW), jnp.int32),
            pltpu.VMEM((_K, _CW, _HF), jnp.float32),
            pltpu.SemaphoreType.DMA,
            pltpu.SemaphoreType.DMA,
            pltpu.SemaphoreType.DMA,
        ],
    )
    return f(g_lo, g_hi, src_rs, dst_rs)


_BLK = 5000


def _tc1_body(x_ref, w_ref, dinv_ref, lo_ref, hi_ref):
    g = jnp.dot(x_ref[...], w_ref[...], preferred_element_type=jnp.float32)
    g = g * dinv_ref[:, :1]
    lo_ref[...] = g[:, :_HF]
    hi_ref[...] = g[:, _HF:]


@jax.jit
def _tc1(x, W1, dinv_w):
    return pl.pallas_call(
        _tc1_body,
        grid=(_N // _BLK,),
        in_specs=[
            pl.BlockSpec((_BLK, _DIN), lambda i: (i, 0)),
            pl.BlockSpec((_DIN, _DH), lambda i: (0, 0)),
            pl.BlockSpec((_BLK, 16), lambda i: (i, 0)),
        ],
        out_specs=[pl.BlockSpec((_BLK, _HF), lambda i: (i, 0)),
                   pl.BlockSpec((_BLK, _HF), lambda i: (i, 0))],
        out_shape=[jax.ShapeDtypeStruct((_N, _HF), jnp.float32),
                   jax.ShapeDtypeStruct((_N, _HF), jnp.float32)],
    )(x, W1, dinv_w)


def _tcmid_body(slo_ref, shi_ref, dinv_ref, b_ref, w_ref,
                lo_ref, hi_ref):
    dinv = dinv_ref[:, :1]
    sf = jnp.concatenate([slo_ref[...], shi_ref[...]], axis=1)
    xn = jnp.maximum(dinv * sf + b_ref[...], 0.0)
    g2 = jnp.dot(xn, w_ref[...], preferred_element_type=jnp.float32) * dinv
    lo_ref[...] = g2[:, :_HF]
    hi_ref[...] = g2[:, _HF:]


@jax.jit
def _tcmid(s_lo, s_hi, dinv_w, b_prev, W):
    blk = lambda i: (i, 0)
    return pl.pallas_call(
        _tcmid_body,
        grid=(_N // _BLK,),
        in_specs=[
            pl.BlockSpec((_BLK, _HF), blk),
            pl.BlockSpec((_BLK, _HF), blk),
            pl.BlockSpec((_BLK, 16), blk),
            pl.BlockSpec((1, _DH), lambda i: (0, 0)),
            pl.BlockSpec((_DH, _DH), lambda i: (0, 0)),
        ],
        out_specs=[pl.BlockSpec((_BLK, _HF), blk),
                   pl.BlockSpec((_BLK, _HF), blk)],
        out_shape=[jax.ShapeDtypeStruct((_N, _HF), jnp.float32),
                   jax.ShapeDtypeStruct((_N, _HF), jnp.float32)],
    )(s_lo, s_hi, dinv_w, b_prev, W)


def _poolmm_body(slo_ref, shi_ref, dinv_ref, batch_ref,
                 b3_ref, wl_ref, bl_ref, out_ref, sum_ref, cnt_ref):
    i = pl.program_id(0)
    dinv = dinv_ref[:, :1]
    sf = jnp.concatenate([slo_ref[...], shi_ref[...]], axis=1)
    h = dinv * sf
    ids = batch_ref[:, :1]
    gidx = lax.broadcasted_iota(jnp.int32, (_BLK, _NG), 1)
    oh = (ids == gidx).astype(jnp.float32)
    psum = lax.dot_general(oh, h, (((0,), (0,)), ((), ())),
                           preferred_element_type=jnp.float32)
    pcnt = jnp.sum(oh, axis=0)[None, :]

    @pl.when(i == 0)
    def _():
        sum_ref[...] = jnp.zeros_like(sum_ref)
        cnt_ref[...] = jnp.zeros_like(cnt_ref)
    sum_ref[...] += psum
    cnt_ref[...] += pcnt

    @pl.when(i == _N // _BLK - 1)
    def _():
        t = sum_ref[...]
        cnt = jnp.reshape(cnt_ref[0], (_NG, 1))
        pooled = (t + cnt * b3_ref[...]) / jnp.maximum(cnt, 1.0)
        out_ref[...] = (jnp.dot(pooled, wl_ref[...],
                                preferred_element_type=jnp.float32)
                        + bl_ref[...])


@jax.jit
def _poolmm(s_lo, s_hi, dinv_w, batch_col, b3, Wl, bl):
    return pl.pallas_call(
        _poolmm_body,
        grid=(_N // _BLK,),
        in_specs=[
            pl.BlockSpec((_BLK, _HF), lambda i: (i, 0)),
            pl.BlockSpec((_BLK, _HF), lambda i: (i, 0)),
            pl.BlockSpec((_BLK, 16), lambda i: (i, 0)),
            pl.BlockSpec((_BLK, 1), lambda i: (i, 0)),
            pl.BlockSpec((1, _DH), lambda i: (0, 0)),
            pl.BlockSpec((_DH, 8), lambda i: (0, 0)),
            pl.BlockSpec((1, 8), lambda i: (0, 0)),
        ],
        out_specs=pl.BlockSpec((_NG, 8), lambda i: (0, 0)),
        out_shape=jax.ShapeDtypeStruct((_NG, 8), jnp.float32),
        scratch_shapes=[
            pltpu.VMEM((_NG, _DH), jnp.float32),
            pltpu.VMEM((1, _NG), jnp.float32),
        ],
    )(s_lo, s_hi, dinv_w, batch_col, b3, Wl, bl)


def kernel(x, edge_index, batch, W1, b1, W2, b2, W3, b3, Wl, bl):
    src = edge_index[0].astype(jnp.int32)
    dst = edge_index[1].astype(jnp.int32)
    src_rs = src.reshape(_RE, _CW)
    dst_rs = dst.reshape(_RE, _CW)
    batch_col = batch.astype(jnp.int32).reshape(_N, 1)

    dinv_w = _prep(dst_rs)
    g1_lo, g1_hi = _tc1(x, W1, dinv_w)
    s1_lo, s1_hi = _agg(g1_lo, g1_hi, src_rs, dst_rs)
    g2_lo, g2_hi = _tcmid(s1_lo, s1_hi, dinv_w, b1.reshape(1, _DH), W2)
    s2_lo, s2_hi = _agg(g2_lo, g2_hi, src_rs, dst_rs)
    g3_lo, g3_hi = _tcmid(s2_lo, s2_hi, dinv_w, b2.reshape(1, _DH), W3)
    s3_lo, s3_hi = _agg(g3_lo, g3_hi, src_rs, dst_rs)
    return _poolmm(s3_lo, s3_hi, dinv_w, batch_col,
                   b3.reshape(1, _DH), Wl, bl.reshape(1, 8))

# --- scband reference (transcript-rebuilt; emitter-appended) ---
"""Pipeline reference for scband-gcn-18674517803330 (READ-ONLY COPY).

The authoritative reference and input builder live on the scoring server;
editing this copy changes nothing except your own understanding.
"""

import jax, jax.numpy as jnp
import numpy as np

N_NODES = 50000
N_EDGES = 800000
D_IN = 128
D_HID = 64
N_CLASSES = 8
N_GRAPHS = 512


def gcn_conv(x, edge_index, W, b):
    # Faithful PyG GCNConv: add self-loops, symmetric normalization,
    # linear transform, scatter-add aggregation, bias after aggregation.
    N = x.shape[0]
    loops = jnp.arange(N, dtype=edge_index.dtype)
    src = jnp.concatenate([edge_index[0], loops])
    dst = jnp.concatenate([edge_index[1], loops])
    deg = jax.ops.segment_sum(jnp.ones_like(dst, dtype=x.dtype), dst, num_segments=N)
    dinv = jnp.where(deg > 0, deg ** -0.5, 0.0)
    norm = dinv[src] * dinv[dst]
    h = x @ W
    msg = h[src] * norm[:, None]
    out = jax.ops.segment_sum(msg, dst, num_segments=N)
    return out + b


def setup_inputs(seed: int = 0) -> dict:
    key = jax.random.key(seed)
    ks = jax.random.split(key, 12)
    x = jax.random.normal(ks[0], (N_NODES, D_IN), dtype=jnp.float32)
    edge_index = jax.random.randint(ks[1], (2, N_EDGES), 0, N_NODES, dtype=jnp.int64)
    batch = jnp.sort(jax.random.randint(ks[2], (N_NODES,), 0, N_GRAPHS, dtype=jnp.int64))
    def lin(k, fan_in, fan_out):
        lim = 1.0 / np.sqrt(fan_in)
        return jax.random.uniform(k, (fan_in, fan_out), jnp.float32, -lim, lim)
    W1 = lin(ks[3], D_IN, D_HID)
    b1 = jnp.zeros((D_HID,), jnp.float32)
    W2 = lin(ks[4], D_HID, D_HID)
    b2 = jnp.zeros((D_HID,), jnp.float32)
    W3 = lin(ks[5], D_HID, D_HID)
    b3 = jnp.zeros((D_HID,), jnp.float32)
    Wl = lin(ks[6], D_HID, N_CLASSES)
    bl = jax.random.uniform(ks[7], (N_CLASSES,), jnp.float32, -1.0 / np.sqrt(D_HID), 1.0 / np.sqrt(D_HID))
    return {"x": x, "edge_index": edge_index, "batch": batch,
            "W1": W1, "b1": b1, "W2": W2, "b2": b2, "W3": W3, "b3": b3,
            "Wl": Wl, "bl": bl}


def reference(x, edge_index, batch, W1, b1, W2, b2, W3, b3, Wl, bl):
    h = jax.nn.relu(gcn_conv(x, edge_index, W1, b1))
    h = jax.nn.relu(gcn_conv(h, edge_index, W2, b2))
    h = gcn_conv(h, edge_index, W3, b3)
    sums = jax.ops.segment_sum(h, batch, num_segments=N_GRAPHS)
    cnt = jax.ops.segment_sum(jnp.ones((h.shape[0],), h.dtype), batch, num_segments=N_GRAPHS)
    pooled = sums / jnp.maximum(cnt, 1.0)[:, None]
    # dropout p=0.5 in eval mode -> identity
    return pooled @ Wl + bl

if __name__ == "__main__":
    import jax
    _d = setup_inputs()
    print(jax.jit(kernel)(*tuple(_d.values())))

</pallas_src>

<mosaic_0001>
#map = affine_map<(d0, d1) -> (0, 0)>
module attributes {stable_mosaic.version = 14 : i64} {
  func.func @_prep_body(%arg0: i32, %arg1: i32, %arg2: memref<6400x125xi32, #tpu.memory_space<hbm>>, %arg3: memref<50000x16xf32, #tpu.memory_space<hbm>>, %arg4: memref<50000x16xf32, #tpu.memory_space<vmem_shared>>, %arg5: memref<125x16xf32, #tpu.memory_space<vmem>>, %arg6: memref<8x125xi32, #tpu.memory_space<vmem>>, %arg7: memref<3125x16xf32, #tpu.memory_space<vmem>>, %arg8: memref<!tpu.dma_semaphore, #tpu.memory_space<semaphore_mem>>) attributes {dimension_semantics = [#tpu.dimension_semantics<core_parallel>, #tpu.dimension_semantics<subcore_parallel>], iteration_bounds = array<i64: 2, 16>, scalar_prefetch = 0 : i64, scratch_operands = 5 : i64, tpu.core_type = #tpu.core_type<sc_vector_subcore>, window_params = [{transform_indices = #map}, {transform_indices = #map}]} {
    %scan3A = arith.constant 0 : i32
    %scan3A_0 = arith.constant 0 : i32
    %scan3A_1 = arith.constant 125 : i32
    %scan3A_2 = arith.addi %scan3A_0, %scan3A_1 : i32
    %scan3A_3 = arith.constant 1 : i32
    scf.for %scan3A_18 = %scan3A_0 to %scan3A_2 step %scan3A_3  : i32 {
      %broadcast_in_dim3A = arith.constant 1.000000e+00 : f32
      %broadcast_in_dim3A_19 = vector.broadcast %broadcast_in_dim3A : f32 to vector<16xf32>
      %swap3A = arith.index_cast %scan3A_18 : i32 to index
      %swap3A_20 = arith.constant 0 : index
      %swap3A_21 = tpu.vector_load %arg5[%swap3A, %swap3A_20] {strides = array<i32>} : memref<125x16xf32, #tpu.memory_space<vmem>>, vector<16xf32>,
      tpu.vector_store %arg5[%swap3A, %swap3A_20], %broadcast_in_dim3A_19 {strides = array<i32>} : memref<125x16xf32, #tpu.memory_space<vmem>>, vector<16xf32>,
    }
    %scan3A_4 = arith.constant 125 : i32
    %eq3A = arith.constant 0 : i32
    %eq3A_5 = arith.cmpi eq, %arg0, %eq3A : i32
    %convert_element_type3A = arith.extui %eq3A_5 : i1 to i32
    %cond3A = arith.constant 0 : i32
    %cond3A_6 = arith.cmpi ne, %convert_element_type3A, %cond3A : i32
    scf.if %cond3A_6 {
      %scan3A_18 = arith.constant 0 : i32
      %scan3A_19 = arith.constant 0 : i32
      %scan3A_20 = arith.constant 25 : i32
      %scan3A_21 = arith.addi %scan3A_19, %scan3A_20 : i32
      %scan3A_22 = arith.constant 1 : i32
      scf.for %scan3A_24 = %scan3A_19 to %scan3A_21 step %scan3A_22  : i32 {
        %mul3A = arith.constant 3125 : i32
        %mul3A_25 = arith.muli %arg1, %mul3A : i32
        %mul3A_26 = arith.constant 125 : i32
        %mul3A_27 = arith.muli %scan3A_24, %mul3A_26 : i32
        %add3A = arith.addi %mul3A_25, %mul3A_27 : i32
        "tpu.region"() ({
          %run_scoped3A = tpu.sem_alloc : memref<!tpu.dma_semaphore, #tpu.memory_space<semaphore_mem>>
          %dma_start3A = arith.constant 0 : i32
          %dma_start3A_28 = tpu.memref_slice %arg4[%add3A, %dma_start3A] : memref<50000x16xf32, #tpu.memory_space<vmem_shared>> -> memref<125x16xf32, #tpu.memory_space<vmem_shared>>
          %dma_start3A_29 = arith.constant 0 : i32
          %dma_start3A_30 = tpu.memref_slice %arg4[%add3A, %dma_start3A_29] : memref<50000x16xf32, #tpu.memory_space<vmem_shared>> -> memref<125x16xf32, #tpu.memory_space<vmem_shared>>
          tpu.enqueue_dma source(%arg5 : memref<125x16xf32, #tpu.memory_space<vmem>>) target(%dma_start3A_30 : memref<125x16xf32, #tpu.memory_space<vmem_shared>>) target_semaphore(%run_scoped3A : memref<!tpu.dma_semaphore, #tpu.memory_space<semaphore_mem>>)
          %dma_wait3A = arith.constant 0 : i32
          %dma_wait3A_31 = tpu.memref_slice %arg4[%add3A, %dma_wait3A] : memref<50000x16xf32, #tpu.memory_space<vmem_shared>> -> memref<125x16xf32, #tpu.memory_space<vmem_shared>>
          %dma_wait3A_32 = arith.constant 0 : i32
          %dma_wait3A_33 = tpu.memref_slice %arg4[%add3A, %dma_wait3A_32] : memref<50000x16xf32, #tpu.memory_space<vmem_shared>> -> memref<125x16xf32, #tpu.memory_space<vmem_shared>>
          tpu.wait_dma2 semaphore(%run_scoped3A : memref<!tpu.dma_semaphore, #tpu.memory_space<semaphore_mem>>) src(%arg5 : memref<125x16xf32, #tpu.memory_space<vmem>>) dst(%dma_wait3A_33 : memref<125x16xf32, #tpu.memory_space<vmem_shared>>)
          tpu.yield
        }) : () -> ()
      }
      %scan3A_23 = arith.constant 25 : i32
    } else {
    }
    %barrier3A = arith.constant 0 : index
    tpu.barrier barrier_id(%barrier3A)
    %eq3A_7 = arith.constant 0 : i32
    %eq3A_8 = arith.cmpi eq, %arg0, %eq3A_7 : i32
    %convert_element_type3A_9 = arith.extui %eq3A_8 : i1 to i32
    %cond3A_10 = arith.constant 0 : i32
    %cond3A_11 = arith.cmpi ne, %convert_element_type3A_9, %cond3A_10 : i32
    scf.if %cond3A_11 {
      %scan3A_18 = arith.constant 0 : i32
      %scan3A_19 = arith.constant 0 : i32
      %scan3A_20 = arith.constant 50 : i32
      %scan3A_21 = arith.addi %scan3A_19, %scan3A_20 : i32
      %scan3A_22 = arith.constant 1 : i32
      scf.for %scan3A_24 = %scan3A_19 to %scan3A_21 step %scan3A_22  : i32 {
        %mul3A = arith.constant 400 : i32
        %mul3A_25 = arith.muli %arg1, %mul3A : i32
        %mul3A_26 = arith.constant 8 : i32
        %mul3A_27 = arith.muli %scan3A_24, %mul3A_26 : i32
        %add3A = arith.addi %mul3A_25, %mul3A_27 : i32
        "tpu.region"() ({
          %run_scoped3A = tpu.sem_alloc : memref<!tpu.dma_semaphore, #tpu.memory_space<semaphore_mem>>
          %dma_start3A_138 = arith.constant 0 : i32
          %dma_start3A_139 = tpu.memref_slice %arg2[%add3A, %dma_start3A_138] : memref<6400x125xi32, #tpu.memory_space<hbm>> -> memref<8x125xi32, #tpu.memory_space<hbm>>
          %dma_start3A_140 = arith.constant 0 : i32
          %dma_start3A_141 = tpu.memref_slice %arg2[%add3A, %dma_start3A_140] : memref<6400x125xi32, #tpu.memory_space<hbm>> -> memref<8x125xi32, #tpu.memory_space<hbm>>
          tpu.enqueue_dma source(%dma_start3A_141 : memref<8x125xi32, #tpu.memory_space<hbm>>) target(%arg6 : memref<8x125xi32, #tpu.memory_space<vmem>>) target_semaphore(%run_scoped3A : memref<!tpu.dma_semaphore, #tpu.memory_space<semaphore_mem>>)
          %dma_wait3A_142 = arith.constant 0 : i32
          %dma_wait3A_143 = tpu.memref_slice %arg2[%add3A, %dma_wait3A_142] : memref<6400x125xi32, #tpu.memory_space<hbm>> -> memref<8x125xi32, #tpu.memory_space<hbm>>
          %dma_wait3A_144 = arith.constant 0 : i32
          %dma_wait3A_145 = tpu.memref_slice %arg2[%add3A, %dma_wait3A_144] : memref<6400x125xi32, #tpu.memory_space<hbm>> -> memref<8x125xi32, #tpu.memory_space<hbm>>
          tpu.wait_dma2 semaphore(%run_scoped3A : memref<!tpu.dma_semaphore, #tpu.memory_space<semaphore_mem>>) src(%dma_wait3A_145 : memref<8x125xi32, #tpu.memory_space<hbm>>) dst(%arg6 : memref<8x125xi32, #tpu.memory_space<vmem>>)
          tpu.yield
        }) : () -> ()
        %dma_start3A = arith.constant 0 : i32
        %dma_start3A_28 = arith.constant 0 : i32
        %dma_start3A_29 = tpu.memref_slice %arg6[%dma_start3A, %dma_start3A_28] : memref<8x125xi32, #tpu.memory_space<vmem>> -> memref<1x125xi32, #tpu.memory_space<vmem>>
        %dma_start3A_30 = tpu.memref_squeeze %dma_start3A_29 : memref<1x125xi32, #tpu.memory_space<vmem>> -> memref<125xi32, #tpu.memory_space<vmem>>
        %dma_start3A_31 = arith.constant 0 : i32
        %dma_start3A_32 = arith.constant 0 : i32
        %dma_start3A_33 = tpu.memref_slice %arg4[%dma_start3A_31, %dma_start3A_32] : memref<50000x16xf32, #tpu.memory_space<vmem_shared>> -> memref<50000x16xf32, #tpu.memory_space<vmem_shared>>
        tpu.enqueue_indirect_dma source(%arg5 : memref<125x16xf32, #tpu.memory_space<vmem>>) target(%dma_start3A_33 : memref<50000x16xf32, #tpu.memory_space<vmem_shared>>) offsets(%dma_start3A_30 : memref<125xi32, #tpu.memory_space<vmem>>) semaphore(%arg8 : memref<!tpu.dma_semaphore, #tpu.memory_space<semaphore_mem>>) {add = true}
        %dma_start3A_34 = arith.constant 1 : i32
        %dma_start3A_35 = arith.constant 0 : i32
        %dma_start3A_36 = tpu.memref_slice %arg6[%dma_start3A_34, %dma_start3A_35] : memref<8x125xi32, #tpu.memory_space<vmem>> -> memref<1x125xi32, #tpu.memory_space<vmem>>
        %dma_start3A_37 = tpu.memref_squeeze %dma_start3A_36 : memref<1x125xi32, #tpu.memory_space<vmem>> -> memref<125xi32, #tpu.memory_space<vmem>>
        %dma_start3A_38 = arith.constant 0 : i32
        %dma_start3A_39 = arith.constant 0 : i32
        %dma_start3A_40 = tpu.memref_slice %arg4[%dma_start3A_38, %dma_start3A_39] : memref<50000x16xf32, #tpu.memory_space<vmem_shared>> -> memref<50000x16xf32, #tpu.memory_space<vmem_shared>>
        tpu.enqueue_indirect_dma source(%arg5 : memref<125x16xf32, #tpu.memory_space<vmem>>) target(%dma_start3A_40 : memref<50000x16xf32, #tpu.memory_space<vmem_shared>>) offsets(%dma_start3A_37 : memref<125xi32, #tpu.memory_space<vmem>>) semaphore(%arg8 : memref<!tpu.dma_semaphore, #tpu.memory_space<semaphore_mem>>) {add = true}
        %dma_start3A_41 = arith.constant 2 : i32
        %dma_start3A_42 = arith.constant 0 : i32
        %dma_start3A_43 = tpu.memref_slice %arg6[%dma_start3A_41, %dma_start3A_42] : memref<8x125xi32, #tpu.memory_space<vmem>> -> memref<1x125xi32, #tpu.memory_space<vmem>>
        %dma_start3A_44 = tpu.memref_squeeze %dma_start3A_43 : memref<1x125xi32, #tpu.memory_space<vmem>> -> memref<125xi32, #tpu.memory_space<vmem>>
        %dma_start3A_45 = arith.constant 0 : i32
        %dma_start3A_46 = arith.constant 0 : i32
        %dma_start3A_47 = tpu.memref_slice %arg4[%dma_start3A_45, %dma_start3A_46] : memref<50000x16xf32, #tpu.memory_space<vmem_shared>> -> memref<50000x16xf32, #tpu.memory_space<vmem_shared>>
        tpu.enqueue_indirect_dma source(%arg5 : memref<125x16xf32, #tpu.memory_space<vmem>>) target(%dma_start3A_47 : memref<50000x16xf32, #tpu.memory_space<vmem_shared>>) offsets(%dma_start3A_44 : memref<125xi32, #tpu.memory_space<vmem>>) semaphore(%arg8 : memref<!tpu.dma_semaphore, #tpu.memory_space<semaphore_mem>>) {add = true}
        %dma_start3A_48 = arith.constant 3 : i32
        %dma_start3A_49 = arith.constant 0 : i32
        %dma_start3A_50 = tpu.memref_slice %arg6[%dma_start3A_48, %dma_start3A_49] : memref<8x125xi32, #tpu.memory_space<vmem>> -> memref<1x125xi32, #tpu.memory_space<vmem>>
        %dma_start3A_51 = tpu.memref_squeeze %dma_start3A_50 : memref<1x125xi32, #tpu.memory_space<vmem>> -> memref<125xi32, #tpu.memory_space<vmem>>
        %dma_start3A_52 = arith.constant 0 : i32
        %dma_start3A_53 = arith.constant 0 : i32
        %dma_start3A_54 = tpu.memref_slice %arg4[%dma_start3A_52, %dma_start3A_53] : memref<50000x16xf32, #tpu.memory_space<vmem_shared>> -> memref<50000x16xf32, #tpu.memory_space<vmem_shared>>
        tpu.enqueue_indirect_dma source(%arg5 : memref<125x16xf32, #tpu.memory_space<vmem>>) target(%dma_start3A_54 : memref<50000x16xf32, #tpu.memory_space<vmem_shared>>) offsets(%dma_start3A_51 : memref<125xi32, #tpu.memory_space<vmem>>) semaphore(%arg8 : memref<!tpu.dma_semaphore, #tpu.memory_space<semaphore_mem>>) {add = true}
        %dma_start3A_55 = arith.constant 4 : i32
        %dma_start3A_56 = arith.constant 0 : i32
        %dma_start3A_57 = tpu.memref_slice %arg6[%dma_start3A_55, %dma_start3A_56] : memref<8x125xi32, #tpu.memory_space<vmem>> -> memref<1x125xi32, #tpu.memory_space<vmem>>
        %dma_start3A_58 = tpu.memref_squeeze %dma_start3A_57 : memref<1x125xi32, #tpu.memory_space<vmem>> -> memref<125xi32, #tpu.memory_space<vmem>>
        %dma_start3A_59 = arith.constant 0 : i32
        %dma_start3A_60 = arith.constant 0 : i32
        %dma_start3A_61 = tpu.memref_slice %arg4[%dma_start3A_59, %dma_start3A_60] : memref<50000x16xf32, #tpu.memory_space<vmem_shared>> -> memref<50000x16xf32, #tpu.memory_space<vmem_shared>>
        tpu.enqueue_indirect_dma source(%arg5 : memref<125x16xf32, #tpu.memory_space<vmem>>) target(%dma_start3A_61 : memref<50000x16xf32, #tpu.memory_space<vmem_shared>>) offsets(%dma_start3A_58 : memref<125xi32, #tpu.memory_space<vmem>>) semaphore(%arg8 : memref<!tpu.dma_semaphore, #tpu.memory_space<semaphore_mem>>) {add = true}
        %dma_start3A_62 = arith.constant 5 : i32
        %dma_start3A_63 = arith.constant 0 : i32
        %dma_start3A_64 = tpu.memref_slice %arg6[%dma_start3A_62, %dma_start3A_63] : memref<8x125xi32, #tpu.memory_space<vmem>> -> memref<1x125xi32, #tpu.memory_space<vmem>>
        %dma_start3A_65 = tpu.memref_squeeze %dma_start3A_64 : memref<1x125xi32, #tpu.memory_space<vmem>> -> memref<125xi32, #tpu.memory_space<vmem>>
        %dma_start3A_66 = arith.constant 0 : i32
        %dma_start3A_67 = arith.constant 0 : i32
        %dma_start3A_68 = tpu.memref_slice %arg4[%dma_start3A_66, %dma_start3A_67] : memref<50000x16xf32, #tpu.memory_space<vmem_shared>> -> memref<50000x16xf32, #tpu.memory_space<vmem_shared>>
        tpu.enqueue_indirect_dma source(%arg5 : memref<125x16xf32, #tpu.memory_space<vmem>>) target(%dma_start3A_68 : memref<50000x16xf32, #tpu.memory_space<vmem_shared>>) offsets(%dma_start3A_65 : memref<125xi32, #tpu.memory_space<vmem>>) semaphore(%arg8 : memref<!tpu.dma_semaphore, #tpu.memory_space<semaphore_mem>>) {add = true}
        %dma_start3A_69 = arith.constant 6 : i32
        %dma_start3A_70 = arith.constant 0 : i32
        %dma_start3A_71 = tpu.memref_slice %arg6[%dma_start3A_69, %dma_start3A_70] : memref<8x125xi32, #tpu.memory_space<vmem>> -> memref<1x125xi32, #tpu.memory_space<vmem>>
        %dma_start3A_72 = tpu.memref_squeeze %dma_start3A_71 : memref<1x125xi32, #tpu.memory_space<vmem>> -> memref<125xi32, #tpu.memory_space<vmem>>
        %dma_start3A_73 = arith.constant 0 : i32
        %dma_start3A_74 = arith.constant 0 : i32
        %dma_start3A_75 = tpu.memref_slice %arg4[%dma_start3A_73, %dma_start3A_74] : memref<50000x16xf32, #tpu.memory_space<vmem_shared>> -> memref<50000x16xf32, #tpu.memory_space<vmem_shared>>
        tpu.enqueue_indirect_dma source(%arg5 : memref<125x16xf32, #tpu.memory_space<vmem>>) target(%dma_start3A_75 : memref<50000x16xf32, #tpu.memory_space<vmem_shared>>) offsets(%dma_start3A_72 : memref<125xi32, #tpu.memory_space<vmem>>) semaphore(%arg8 : memref<!tpu.dma_semaphore, #tpu.memory_space<semaphore_mem>>) {add = true}
        %dma_start3A_76 = arith.constant 7 : i32
        %dma_start3A_77 = arith.constant 0 : i32
        %dma_start3A_78 = tpu.memref_slice %arg6[%dma_start3A_76, %dma_start3A_77] : memref<8x125xi32, #tpu.memory_space<vmem>> -> memref<1x125xi32, #tpu.memory_space<vmem>>
        %dma_start3A_79 = tpu.memref_squeeze %dma_start3A_78 : memref<1x125xi32, #tpu.memory_space<vmem>> -> memref<125xi32, #tpu.memory_space<vmem>>
        %dma_start3A_80 = arith.constant 0 : i32
        %dma_start3A_81 = arith.constant 0 : i32
        %dma_start3A_82 = tpu.memref_slice %arg4[%dma_start3A_80, %dma_start3A_81] : memref<50000x16xf32, #tpu.memory_space<vmem_shared>> -> memref<50000x16xf32, #tpu.memory_space<vmem_shared>>
        tpu.enqueue_indirect_dma source(%arg5 : memref<125x16xf32, #tpu.memory_space<vmem>>) target(%dma_start3A_82 : memref<50000x16xf32, #tpu.memory_space<vmem_shared>>) offsets(%dma_start3A_79 : memref<125xi32, #tpu.memory_space<vmem>>) semaphore(%arg8 : memref<!tpu.dma_semaphore, #tpu.memory_space<semaphore_mem>>) {add = true}
        %dma_wait3A = arith.constant 0 : i32
        %dma_wait3A_83 = arith.constant 0 : i32
        %dma_wait3A_84 = tpu.memref_slice %arg6[%dma_wait3A, %dma_wait3A_83] : memref<8x125xi32, #tpu.memory_space<vmem>> -> memref<1x125xi32, #tpu.memory_space<vmem>>
        %dma_wait3A_85 = tpu.memref_squeeze %dma_wait3A_84 : memref<1x125xi32, #tpu.memory_space<vmem>> -> memref<125xi32, #tpu.memory_space<vmem>>
        %dma_wait3A_86 = arith.constant 0 : i32
        %dma_wait3A_87 = arith.constant 0 : i32
        %dma_wait3A_88 = tpu.memref_slice %arg4[%dma_wait3A_86, %dma_wait3A_87] : memref<50000x16xf32, #tpu.memory_space<vmem_shared>> -> memref<50000x16xf32, #tpu.memory_space<vmem_shared>>
        tpu.wait_indirect_dma semaphore(%arg8 : memref<!tpu.dma_semaphore, #tpu.memory_space<semaphore_mem>>) src(%arg5 : memref<125x16xf32, #tpu.memory_space<vmem>>) dst(%dma_wait3A_88 : memref<50000x16xf32, #tpu.memory_space<vmem_shared>>)
        %dma_wait3A_89 = arith.constant 1 : i32
        %dma_wait3A_90 = arith.constant 0 : i32
        %dma_wait3A_91 = tpu.memref_slice %arg6[%dma_wait3A_89, %dma_wait3A_90] : memref<8x125xi32, #tpu.memory_space<vmem>> -> memref<1x125xi32, #tpu.memory_space<vmem>>
        %dma_wait3A_92 = tpu.memref_squeeze %dma_wait3A_91 : memref<1x125xi32, #tpu.memory_space<vmem>> -> memref<125xi32, #tpu.memory_space<vmem>>
        %dma_wait3A_93 = arith.constant 0 : i32
        %dma_wait3A_94 = arith.constant 0 : i32
        %dma_wait3A_95 = tpu.memref_slice %arg4[%dma_wait3A_93, %dma_wait3A_94] : memref<50000x16xf32, #tpu.memory_space<vmem_shared>> -> memref<50000x16xf32, #tpu.memory_space<vmem_shared>>
        tpu.wait_indirect_dma semaphore(%arg8 : memref<!tpu.dma_semaphore, #tpu.memory_space<semaphore_mem>>) src(%arg5 : memref<125x16xf32, #tpu.memory_space<vmem>>) dst(%dma_wait3A_95 : memref<50000x16xf32, #tpu.memory_space<vmem_shared>>)
        %dma_wait3A_96 = arith.constant 2 : i32
        %dma_wait3A_97 = arith.constant 0 : i32
        %dma_wait3A_98 = tpu.memref_slice %arg6[%dma_wait3A_96, %dma_wait3A_97] : memref<8x125xi32, #tpu.memory_space<vmem>> -> memref<1x125xi32, #tpu.memory_space<vmem>>
        %dma_wait3A_99 = tpu.memref_squeeze %dma_wait3A_98 : memref<1x125xi32, #tpu.memory_space<vmem>> -> memref<125xi32, #tpu.memory_space<vmem>>
        %dma_wait3A_100 = arith.constant 0 : i32
        %dma_wait3A_101 = arith.constant 0 : i32
        %dma_wait3A_102 = tpu.memref_slice %arg4[%dma_wait3A_100, %dma_wait3A_101] : memref<50000x16xf32, #tpu.memory_space<vmem_shared>> -> memref<50000x16xf32, #tpu.memory_space<vmem_shared>>
        tpu.wait_indirect_dma semaphore(%arg8 : memref<!tpu.dma_semaphore, #tpu.memory_space<semaphore_mem>>) src(%arg5 : memref<125x16xf32, #tpu.memory_space<vmem>>) dst(%dma_wait3A_102 : memref<50000x16xf32, #tpu.memory_space<vmem_shared>>)
        %dma_wait3A_103 = arith.constant 3 : i32
        %dma_wait3A_104 = arith.constant 0 : i32
        %dma_wait3A_105 = tpu.memref_slice %arg6[%dma_wait3A_103, %dma_wait3A_104] : memref<8x125xi32, #tpu.memory_space<vmem>> -> memref<1x125xi32, #tpu.memory_space<vmem>>
        %dma_wait3A_106 = tpu.memref_squeeze %dma_wait3A_105 : memref<1x125xi32, #tpu.memory_space<vmem>> -> memref<125xi32, #tpu.memory_space<vmem>>
        %dma_wait3A_107 = arith.constant 0 : i32
        %dma_wait3A_108 = arith.constant 0 : i32
        %dma_wait3A_109 = tpu.memref_slice %arg4[%dma_wait3A_107, %dma_wait3A_108] : memref<50000x16xf32, #tpu.memory_space<vmem_shared>> -> memref<50000x16xf32, #tpu.memory_space<vmem_shared>>
        tpu.wait_indirect_dma semaphore(%arg8 : memref<!tpu.dma_semaphore, #tpu.memory_space<semaphore_mem>>) src(%arg5 : memref<125x16xf32, #tpu.memory_space<vmem>>) dst(%dma_wait3A_109 : memref<50000x16xf32, #tpu.memory_space<vmem_shared>>)
        %dma_wait3A_110 = arith.constant 4 : i32
        %dma_wait3A_111 = arith.constant 0 : i32
        %dma_wait3A_112 = tpu.memref_slice %arg6[%dma_wait3A_110, %dma_wait3A_111] : memref<8x125xi32, #tpu.memory_space<vmem>> -> memref<1x125xi32, #tpu.memory_space<vmem>>
        %dma_wait3A_113 = tpu.memref_squeeze %dma_wait3A_112 : memref<1x125xi32, #tpu.memory_space<vmem>> -> memref<125xi32, #tpu.memory_space<vmem>>
        %dma_wait3A_114 = arith.constant 0 : i32
        %dma_wait3A_115 = arith.constant 0 : i32
        %dma_wait3A_116 = tpu.memref_slice %arg4[%dma_wait3A_114, %dma_wait3A_115] : memref<50000x16xf32, #tpu.memory_space<vmem_shared>> -> memref<50000x16xf32, #tpu.memory_space<vmem_shared>>
        tpu.wait_indirect_dma semaphore(%arg8 : memref<!tpu.dma_semaphore, #tpu.memory_space<semaphore_mem>>) src(%arg5 : memref<125x16xf32, #tpu.memory_space<vmem>>) dst(%dma_wait3A_116 : memref<50000x16xf32, #tpu.memory_space<vmem_shared>>)
        %dma_wait3A_117 = arith.constant 5 : i32
        %dma_wait3A_118 = arith.constant 0 : i32
        %dma_wait3A_119 = tpu.memref_slice %arg6[%dma_wait3A_117, %dma_wait3A_118] : memref<8x125xi32, #tpu.memory_space<vmem>> -> memref<1x125xi32, #tpu.memory_space<vmem>>
        %dma_wait3A_120 = tpu.memref_squeeze %dma_wait3A_119 : memref<1x125xi32, #tpu.memory_space<vmem>> -> memref<125xi32, #tpu.memory_space<vmem>>
        %dma_wait3A_121 = arith.constant 0 : i32
        %dma_wait3A_122 = arith.constant 0 : i32
        %dma_wait3A_123 = tpu.memref_slice %arg4[%dma_wait3A_121, %dma_wait3A_122] : memref<50000x16xf32, #tpu.memory_space<vmem_shared>> -> memref<50000x16xf32, #tpu.memory_space<vmem_shared>>
        tpu.wait_indirect_dma semaphore(%arg8 : memref<!tpu.dma_semaphore, #tpu.memory_space<semaphore_mem>>) src(%arg5 : memref<125x16xf32, #tpu.memory_space<vmem>>) dst(%dma_wait3A_123 : memref<50000x16xf32, #tpu.memory_space<vmem_shared>>)
        %dma_wait3A_124 = arith.constant 6 : i32
        %dma_wait3A_125 = arith.constant 0 : i32
        %dma_wait3A_126 = tpu.memref_slice %arg6[%dma_wait3A_124, %dma_wait3A_125] : memref<8x125xi32, #tpu.memory_space<vmem>> -> memref<1x125xi32, #tpu.memory_space<vmem>>
        %dma_wait3A_127 = tpu.memref_squeeze %dma_wait3A_126 : memref<1x125xi32, #tpu.memory_space<vmem>> -> memref<125xi32, #tpu.memory_space<vmem>>
        %dma_wait3A_128 = arith.constant 0 : i32
        %dma_wait3A_129 = arith.constant 0 : i32
        %dma_wait3A_130 = tpu.memref_slice %arg4[%dma_wait3A_128, %dma_wait3A_129] : memref<50000x16xf32, #tpu.memory_space<vmem_shared>> -> memref<50000x16xf32, #tpu.memory_space<vmem_shared>>
        tpu.wait_indirect_dma semaphore(%arg8 : memref<!tpu.dma_semaphore, #tpu.memory_space<semaphore_mem>>) src(%arg5 : memref<125x16xf32, #tpu.memory_space<vmem>>) dst(%dma_wait3A_130 : memref<50000x16xf32, #tpu.memory_space<vmem_shared>>)
        %dma_wait3A_131 = arith.constant 7 : i32
        %dma_wait3A_132 = arith.constant 0 : i32
        %dma_wait3A_133 = tpu.memref_slice %arg6[%dma_wait3A_131, %dma_wait3A_132] : memref<8x125xi32, #tpu.memory_space<vmem>> -> memref<1x125xi32, #tpu.memory_space<vmem>>
        %dma_wait3A_134 = tpu.memref_squeeze %dma_wait3A_133 : memref<1x125xi32, #tpu.memory_space<vmem>> -> memref<125xi32, #tpu.memory_space<vmem>>
        %dma_wait3A_135 = arith.constant 0 : i32
        %dma_wait3A_136 = arith.constant 0 : i32
        %dma_wait3A_137 = tpu.memref_slice %arg4[%dma_wait3A_135, %dma_wait3A_136] : memref<50000x16xf32, #tpu.memory_space<vmem_shared>> -> memref<50000x16xf32, #tpu.memory_space<vmem_shared>>
        tpu.wait_indirect_dma semaphore(%arg8 : memref<!tpu.dma_semaphore, #tpu.memory_space<semaphore_mem>>) src(%arg5 : memref<125x16xf32, #tpu.memory_space<vmem>>) dst(%dma_wait3A_137 : memref<50000x16xf32, #tpu.memory_space<vmem_shared>>)
      }
      %scan3A_23 = arith.constant 50 : i32
    } else {
    }
    %barrier3A_12 = arith.constant 0 : index
    tpu.barrier barrier_id(%barrier3A_12)
    %eq3A_13 = arith.constant 0 : i32
    %eq3A_14 = arith.cmpi eq, %arg0, %eq3A_13 : i32
    %convert_element_type3A_15 = arith.extui %eq3A_14 : i1 to i32
    %cond3A_16 = arith.constant 0 : i32
    %cond3A_17 = arith.cmpi ne, %convert_element_type3A_15, %cond3A_16 : i32
    scf.if %cond3A_17 {
      %mul3A = arith.constant 3125 : i32
      %mul3A_18 = arith.muli %arg1, %mul3A : i32
      "tpu.region"() ({
        %run_scoped3A = tpu.sem_alloc : memref<!tpu.dma_semaphore, #tpu.memory_space<semaphore_mem>>
        %dma_start3A = arith.constant 0 : i32
        %dma_start3A_27 = tpu.memref_slice %arg4[%mul3A_18, %dma_start3A] : memref<50000x16xf32, #tpu.memory_space<vmem_shared>> -> memref<3125x16xf32, #tpu.memory_space<vmem_shared>>
        %dma_start3A_28 = arith.constant 0 : i32
        %dma_start3A_29 = tpu.memref_slice %arg4[%mul3A_18, %dma_start3A_28] : memref<50000x16xf32, #tpu.memory_space<vmem_shared>> -> memref<3125x16xf32, #tpu.memory_space<vmem_shared>>
        tpu.enqueue_dma source(%dma_start3A_29 : memref<3125x16xf32, #tpu.memory_space<vmem_shared>>) target(%arg7 : memref<3125x16xf32, #tpu.memory_space<vmem>>) target_semaphore(%run_scoped3A : memref<!tpu.dma_semaphore, #tpu.memory_space<semaphore_mem>>)
        %dma_wait3A = arith.constant 0 : i32
        %dma_wait3A_30 = tpu.memref_slice %arg4[%mul3A_18, %dma_wait3A] : memref<50000x16xf32, #tpu.memory_space<vmem_shared>> -> memref<3125x16xf32, #tpu.memory_space<vmem_shared>>
        %dma_wait3A_31 = arith.constant 0 : i32
        %dma_wait3A_32 = tpu.memref_slice %arg4[%mul3A_18, %dma_wait3A_31] : memref<50000x16xf32, #tpu.memory_space<vmem_shared>> -> memref<3125x16xf32, #tpu.memory_space<vmem_shared>>
        tpu.wait_dma2 semaphore(%run_scoped3A : memref<!tpu.dma_semaphore, #tpu.memory_space<semaphore_mem>>) src(%dma_wait3A_32 : memref<3125x16xf32, #tpu.memory_space<vmem_shared>>) dst(%arg7 : memref<3125x16xf32, #tpu.memory_space<vmem>>)
        tpu.yield
      }) : () -> ()
      %scan3A_19 = arith.constant 0 : i32
      %scan3A_20 = arith.constant 0 : i32
      %scan3A_21 = arith.constant 3125 : i32
      %scan3A_22 = arith.addi %scan3A_20, %scan3A_21 : i32
      %scan3A_23 = arith.constant 1 : i32
      scf.for %scan3A_27 = %scan3A_20 to %scan3A_22 step %scan3A_23  : i32 {
        %get3A = arith.index_cast %scan3A_27 : i32 to index
        %get3A_28 = arith.constant 0 : index
        %get3A_29 = tpu.vector_load %arg7[%get3A, %get3A_28] {strides = array<i32>} : memref<3125x16xf32, #tpu.memory_space<vmem>>, vector<16xf32>,
        %bitcast3A = vector.bitcast %get3A_29 : vector<16xf32> to vector<16xi32>
        %shift_right_arithmetic3A = arith.constant 1 : i32
        %shift_right_arithmetic3A_30 = vector.broadcast %shift_right_arithmetic3A : i32 to vector<16xi32>
        %shift_right_arithmetic3A_31 = arith.shrsi %bitcast3A, %shift_right_arithmetic3A_30 : vector<16xi32>
        %sub3A = arith.constant 1597463007 : i32
        %sub3A_32 = vector.broadcast %sub3A : i32 to vector<16xi32>
        %sub3A_33 = arith.subi %sub3A_32, %shift_right_arithmetic3A_31 : vector<16xi32>
        %bitcast3A_34 = vector.bitcast %sub3A_33 : vector<16xi32> to vector<16xf32>
        %mul3A_35 = arith.constant 5.000000e-01 : f32
        %mul3A_36 = vector.broadcast %mul3A_35 : f32 to vector<16xf32>
        %mul3A_37 = arith.mulf %get3A_29, %mul3A_36 : vector<16xf32>
        %mul3A_38 = arith.mulf %mul3A_37, %bitcast3A_34 : vector<16xf32>
        %mul3A_39 = arith.mulf %mul3A_38, %bitcast3A_34 : vector<16xf32>
        %sub3A_40 = arith.constant 1.500000e+00 : f32
        %sub3A_41 = vector.broadcast %sub3A_40 : f32 to vector<16xf32>
        %sub3A_42 = arith.subf %sub3A_41, %mul3A_39 : vector<16xf32>
        %mul3A_43 = arith.mulf %bitcast3A_34, %sub3A_42 : vector<16xf32>
        %mul3A_44 = arith.mulf %mul3A_37, %mul3A_43 : vector<16xf32>
        %mul3A_45 = arith.mulf %mul3A_44, %mul3A_43 : vector<16xf32>
        %sub3A_46 = arith.constant 1.500000e+00 : f32
        %sub3A_47 = vector.broadcast %sub3A_46 : f32 to vector<16xf32>
        %sub3A_48 = arith.subf %sub3A_47, %mul3A_45 : vector<16xf32>
        %mul3A_49 = arith.mulf %mul3A_43, %sub3A_48 : vector<16xf32>
        %mul3A_50 = arith.mulf %mul3A_37, %mul3A_49 : vector<16xf32>
        %mul3A_51 = arith.mulf %mul3A_50, %mul3A_49 : vector<16xf32>
        %sub3A_52 = arith.constant 1.500000e+00 : f32
        %sub3A_53 = vector.broadcast %sub3A_52 : f32 to vector<16xf32>
        %sub3A_54 = arith.subf %sub3A_53, %mul3A_51 : vector<16xf32>
        %mul3A_55 = arith.mulf %mul3A_49, %sub3A_54 : vector<16xf32>
        %swap3A = arith.index_cast %scan3A_27 : i32 to index
        %swap3A_56 = arith.constant 0 : index
        %swap3A_57 = tpu.vector_load %arg7[%swap3A, %swap3A_56] {strides = array<i32>} : memref<3125x16xf32, #tpu.memory_space<vmem>>, vector<16xf32>,
        tpu.vector_store %arg7[%swap3A, %swap3A_56], %mul3A_55 {strides = array<i32>} : memref<3125x16xf32, #tpu.memory_space<vmem>>, vector<16xf32>,
      }
      %scan3A_24 = arith.constant 3125 : i32
      %mul3A_25 = arith.constant 3125 : i32
      %mul3A_26 = arith.muli %arg1, %mul3A_25 : i32
      "tpu.region"() ({
        %run_scoped3A = tpu.sem_alloc : memref<!tpu.dma_semaphore, #tpu.memory_space<semaphore_mem>>
        %dma_start3A = arith.constant 0 : i32
        %dma_start3A_27 = tpu.memref_slice %arg3[%mul3A_26, %dma_start3A] : memref<50000x16xf32, #tpu.memory_space<hbm>> -> memref<3125x16xf32, #tpu.memory_space<hbm>>
        %dma_start3A_28 = arith.constant 0 : i32
        %dma_start3A_29 = tpu.memref_slice %arg3[%mul3A_26, %dma_start3A_28] : memref<50000x16xf32, #tpu.memory_space<hbm>> -> memref<3125x16xf32, #tpu.memory_space<hbm>>
        tpu.enqueue_dma source(%arg7 : memref<3125x16xf32, #tpu.memory_space<vmem>>) target(%dma_start3A_29 : memref<3125x16xf32, #tpu.memory_space<hbm>>) target_semaphore(%run_scoped3A : memref<!tpu.dma_semaphore, #tpu.memory_space<semaphore_mem>>)
        %dma_wait3A = arith.constant 0 : i32
        %dma_wait3A_30 = tpu.memref_slice %arg3[%mul3A_26, %dma_wait3A] : memref<50000x16xf32, #tpu.memory_space<hbm>> -> memref<3125x16xf32, #tpu.memory_space<hbm>>
        %dma_wait3A_31 = arith.constant 0 : i32
        %dma_wait3A_32 = tpu.memref_slice %arg3[%mul3A_26, %dma_wait3A_31] : memref<50000x16xf32, #tpu.memory_space<hbm>> -> memref<3125x16xf32, #tpu.memory_space<hbm>>
        tpu.wait_dma2 semaphore(%run_scoped3A : memref<!tpu.dma_semaphore, #tpu.memory_space<semaphore_mem>>) src(%arg7 : memref<3125x16xf32, #tpu.memory_space<vmem>>) dst(%dma_wait3A_32 : memref<3125x16xf32, #tpu.memory_space<hbm>>)
        tpu.yield
      }) : () -> ()
    } else {
    }
    return
  }
}

</mosaic_0001>

<sc_bundles>
// kernel: _prep.3.cloned.1.call-start
scs
__scs_entry_jumppad:
0x0: {  	(pc) =	sbr.rel $0x88, $3  }
0x1: {  	(tag) =	ssettag $0x0;
	lr =	simm.s32 $0x1  }
0x2: {  	[smem:$0x3FA0] =	sst lr;
	_ =	strace $0xD0000000  }
0x3: {  	_ = 	snop  }
0x4: {  	_ = 	snop  }
0x5: {  	_ = 	snop  }
0x6: {  	_ = 	snop  }
0x7: {  	_ = 	snop  }
__scs_overlays_trampoline_lowered:
0x8: {  	[smem:$0x3FAF] =	sst s0  }
0x9: {  	[smem:$0x3FB0] =	sst s1  }
0xa: {  	[smem:$0x3FB1] =	sst s2  }
0xb: {  	[smem:$0x3FB2] =	sst s3  }
0xc: {  	[smem:$0x3FB3] =	sst s4  }
0xd: {  	[smem:$0x3FB4] =	sst s5  }
0xe: {  	[smem:$0x3FB5] =	sst s6  }
0xf: {  	[smem:$0x3FB6] =	sst s7  }
0x10: {  	[smem:$0x3FB7] =	sst s8  }
0x11: {  	[smem:$0x3FB8] =	sst s9;
	s0 =	simm.s32 @!p0 $0x0  }
0x12: {  	s1 =	sld [smem:$0x3F9E];
	s0 =	simm.s32 @p0 $0x1  }
0x13: {  	[smem:$0x3FB9] =	sst s0;
	s0 =	simm.s32 @!p1 $0x0  }
0x14: {  	s2 =	sld [smem:$0x3F9D];
	s0 =	simm.s32 @p1 $0x1  }
0x15: {  	[smem:$0x3FBA] =	sst s0;
	s0 =	simm.s32 @!p2 $0x0  }
0x16: {  	s3 =	sld [smem:$0x3FDB];
	s0 =	simm.s32 @p2 $0x1  }
0x17: {  	s4 =	simm.s32 $0x1BF5;
	[smem:$0x3FBC] =	sst s0  }
0x18: {  	s0 =	sld [smem:$0x3F9F];
	_ =	swait.ge [sflag:s4], $0x0  }
0x19: {  	s7 =	sld [smem:$0x3FA0]  }
0x1a: {  	s8 =	sadd.s32 $0xFFFFE003, lr  }
0x1b: {  	s9 =	sadd.s32 $0xFFFFFEF7, lr;
	s5 =	simm.s32 $0xFFFFFFFF;
	p2 =	slt.u32 s8, $0xFFFFF086  }
0x1c: {  	p1 =	slt.u32 s9, $0xF7A;
	s5 =	simm.s32 @!p2 $0x0  }
0x1d: {  	s5 =	simm.s32 @p1 $0x1;
	p0 =	seq.s32 s7, s2  }
0x1e: {  	s7 =	smul.u32 @!p0 $0xF7A, s2;
	p2 =	seq.s32 @!p0 s5, $0x0  }
0x1f: {  	s9 =	smul.u32 $0xF7A, s1;
	s8 =	simm.s32 @!p0 $0x1BF5;
	p2 =	por !p2, p0  }
0x20: {  	[sflag:s8] =	ssyncset.s32 @!p0 $0xFFFFF086;
	s6 =	sadd.s32 @!p0 s3, s7;
	s7 =	simm.s32 @!p0 $0x108  }
0x21: {  	s3 =	sadd.s32 s3, s9;
	s6 =	sadd.s32 @!p0 $0x88, s6;
	s7 =	simm.s32 @p2 $0x1082  }
0x22: {  	[simem:s7], [sflag:s8] =	dma.local @!p0 [hbm:s6], $0xF7A  }
0x23: {  	s9 =	sor.u32 $0xD0000000, s2;
	s6 =	simm.s32 $0x108;
	_ =	swait.ge @!p0 [sflag:s8], $0x0  }
0x24: {  	s3 =	sadd.s32 $0x88, s3;
	s6 =	simm.s32 @!p1 $0x1082;
	[sflag:s4] =	ssyncset.s32 $0xFFFFF086  }
0x25: {  	[simem:s6], [sflag:s4] =	dma.local [hbm:s3], $0xF7A  }
0x26: {  	[smem:$0x3FA0] =	sst s1;
	(tag) =	ssettag s2;
	_ =	strace s9  }
0x27: {  	s1 =	sld [smem:$0x3FB0]  }
0x28: {  	s2 =	sld [smem:$0x3FB1]  }
0x29: {  	s4 =	sld [smem:$0x3FB3]  }
0x2a: {  	p0 =	seq.s32 s5, $0x0;
	s5 =	sld [smem:$0x3FB4]  }
0x2b: {  	s6 =	sld [smem:$0x3FB5]  }
0x2c: {  	s7 =	sld [smem:$0x3FB6]  }
0x2d: {  	s3 =	simm.s32 $0x108;
	s8 =	sld [smem:$0x3FB7]  }
0x2e: {  	s3 =	simm.s32 @!p0 $0x1082;
	s9 =	sld [smem:$0x3FB8]  }
0x2f: {  	lr =	sadd.s32 s0, s3;
	s0 =	sld [smem:$0x3FAF]  }
0x30: {  	s3 =	sld [smem:$0x3FB2]  }
0x31: {  	[smem:$0x3FBB] =	sst s10  }
0x32: {  	s10 =	sld [smem:$0x3FB9];
	_ =	sdelay $0x3  }
0x33: {  	p0 =	seq.s32 s10, $0x1;
	s10 =	sld [smem:$0x3FBB];
	_ =	sdelay $0x3  }
0x34: {  	[smem:$0x3FBB] =	sst s10  }
0x35: {  	s10 =	sld [smem:$0x3FBA];
	_ =	sdelay $0x3  }
0x36: {  	p1 =	seq.s32 s10, $0x1;
	s10 =	sld [smem:$0x3FBB];
	_ =	sdelay $0x3  }
0x37: {  	[smem:$0x3FBB] =	sst s10  }
0x38: {  	s10 =	sld [smem:$0x3FBC]  }
0x39: {  	_ = 	snop;
	(pc) =	sbr.ind lr, $3  }
0x3a: {  	_ = 	snop  }
0x3b: {  	_ = 	snop  }
0x3c: {  	p2 =	seq.s32 s10, $0x1;
	s10 =	sld [smem:$0x3FBB]  }
0x3d: {  	_ =	shalt  }
0x3e: {  	_ =	shalt  }
0x3f: {  	_ =	shalt  }
0x40: {  	_ =	shalt  }
0x41: {  	_ =	shalt  }
0x42: {  	_ =	shalt  }
0x43: {  	_ =	shalt  }
0x44: {  	_ =	shalt  }
0x45: {  	_ =	shalt  }
0x46: {  	_ =	shalt  }
0x47: {  	_ =	shalt  }
0x48: {  	_ =	shalt  }
0x49: {  	_ =	shalt  }
0x4a: {  	_ =	shalt  }
0x4b: {  	_ =	shalt  }
0x4c: {  	_ =	shalt  }
0x4d: {  	_ =	shalt  }
0x4e: {  	_ =	shalt  }
0x4f: {  	_ =	shalt  }
0x50: {  	_ =	shalt  }
0x51: {  	_ =	shalt  }
0x52: {  	_ =	shalt  }
0x53: {  	_ =	shalt  }
0x54: {  	_ =	shalt  }
0x55: {  	_ =	shalt  }
0x56: {  	_ =	shalt  }
0x57: {  	_ =	shalt  }
0x58: {  	_ =	shalt  }
0x59: {  	_ =	shalt  }
0x5a: {  	_ =	shalt  }
0x5b: {  	_ =	shalt  }
0x5c: {  	_ =	shalt  }
0x5d: {  	_ =	shalt  }
0x5e: {  	_ =	shalt  }
0x5f: {  	_ =	shalt  }
0x60: {  	_ =	shalt  }
0x61: {  	_ =	shalt  }
0x62: {  	_ =	shalt  }
0x63: {  	_ =	shalt  }
0x64: {  	_ =	shalt  }
0x65: {  	_ =	shalt  }
0x66: {  	_ =	shalt  }
0x67: {  	_ =	shalt  }
0x68: {  	_ =	shalt  }
0x69: {  	_ =	shalt  }
0x6a: {  	_ =	shalt  }
0x6b: {  	_ =	shalt  }
0x6c: {  	_ =	shalt  }
0x6d: {  	_ =	shalt  }
0x6e: {  	_ =	shalt  }
0x6f: {  	_ =	shalt  }
0x70: {  	_ =	shalt  }
0x71: {  	_ =	shalt  }
0x72: {  	_ =	shalt  }
0x73: {  	_ =	shalt  }
0x74: {  	_ =	shalt  }
0x75: {  	_ =	shalt  }
0x76: {  	_ =	shalt  }
0x77: {  	_ =	shalt  }
0x78: {  	_ =	shalt  }
0x79: {  	_ =	shalt  }
0x7a: {  	_ =	shalt  }
0x7b: {  	_ =	shalt  }
0x7c: {  	_ =	shalt  }
0x7d: {  	_ =	shalt  }
0x7e: {  	_ =	shalt  }
0x7f: {  	_ =	shalt  }
0x80: {  	_ =	shalt  }
0x81: {  	_ =	shalt  }
0x82: {  	_ =	shalt  }
0x83: {  	_ =	shalt  }
0x84: {  	_ =	shalt  }
0x85: {  	_ =	shalt  }
0x86: {  	_ =	shalt  }
0x87: {  	_ =	shalt  }
.Lfunc_end0:
.L_simem_size_0:
called_computation_lowered:
.L_overlay_start_0:
0x88: {  	s2 =	sld [smem:$0x3FD9]  }
0x89: {  	s3 =	sld [smem:$0x3FFE];
	_ =	sdelay $0x1  }
0x8a: {  	s1 =	srdreg.scid  }
0x8b: {  	s0 =	sand.u32 $0x1, s1  }
0x8c: {  	s17 =	sshll.u32 s0, $0xA;
	s2 =	sadd.s32 s3, s2  }
0x8d: {  	s2 =	sadd.s32 s2, s17  }
0x8e: {  	[smem:$0x3FC7] =	sst s2  }
0x8f: {  	_ = 	snop  }
0x90: {  	s2 =	sld [smem:$0x3FD0];
	(tm) =	ssettm $0x1  }
0x91: {  	s18 =	sld [smem:$0x3FFB];
	_ =	sdelay $0x3  }
0x92: {  	_ =	strace s18  }
0x93: {  	s3 =	sld [smem:$0x3FFC];
	_ =	sdelay $0x3  }
0x94: {  	_ =	strace s3  }
0x95: {  	s3 =	sld [smem:$0x3FFD];
	_ =	sdelay $0x3  }
0x96: {  	_ =	strace s3  }
0x97: {  	_ =	strace $0x8FFFFFFF  }
0x98: {  	s19 =	sld [smem:$0x3FDB];
	_ =	sdelay $0x1  }
0x99: {  	s4 =	simm.s32 $_scs_section_size  }
0x9a: {  	s5 =	simm.s32 $_size__tile_overlayer_lowered;
	s6 =	simm.s32 $_tile_overlayer_lowered  }
0x9b: {  	s22 =	simm.s32 $0x1BFF;
	s21 =	sshll.u32 s6, $0x1;
	s3 =	sadd.s32 s4, s19  }
0x9c: {  	s7 =	simm.s32 $0x0;
	s20 =	sshll.u32 s5, $0x1;
	s5 =	sadd.s32 s21, s3  }
0x9d: {  	[timem:s7], [sflag:s22] =	dma.local [hbm:s5], s20  }
0x9e: {  	_ =	swait.ge [sflag:s22], s20  }
0x9f: {  	s4 =	ssub.s32 $0x0, s20;
	[sflag:s22] =	ssyncset.done $0x0  }
0xa0: {  	[sflag:s22] =	ssyncadd.s32 s4;
	_ =	sdelay $0x1  }
0xa1: {  	s23 =	simm.s32 $0x1B8B  }
0xa2: {  	_ =	swait.ge [sflag:s23], $0x1  }
0xa3: {  	[sflag:s23] =	ssyncset.done $0x0  }
0xa4: {  	s25 =	simm.s32 $0x1B8E;
	s24 =	sld [smem:$0x3FFE];
	[sflag:s23] =	ssyncadd.s32 $0xFFFFFFFF  }
0xa5: {  	s26 =	simm.s32 $execute0_lowered;
	[smem:$0x3FD2] =	sst s25  }
0xa6: {  	s5 =	sshll.u32 s26, $0x1;
	_ =	strace $0x80000046;
	[dreg:$0x1] =	wrdreg $0xFFFFFFFF  }
0xa7: {  	s28 =	simm.s32 $_size_execute0_lowered;
	s3 =	sadd.s32 s3, s5;
	[dreg:$0x0] =	wrdreg $0x0  }
0xa8: {  	s5 =	sshll.u32 s28, $0x1;
	[dreg:$0x2] =	wrdreg s3  }
0xa9: {  	[dreg:$0x3] =	wrdreg s5  }
0xaa: {  	[dreg:$0x4] =	wrdreg $0xC0  }
0xab: {  	_ =	task [dreg:s7], $0x5FFFF  }
0xac: {  	[dreg:$0x1] =	wrdreg $0xFFFFFFFF  }
0xad: {  	[dreg:$0x0] =	wrdreg $0x60  }
0xae: {  	[dreg:$0x2] =	wrdreg s24  }
0xaf: {  	[dreg:$0x3] =	wrdreg s2  }
0xb0: {  	[dreg:$0x4] =	wrdreg $0x0  }
0xb1: {  	[dreg:$0x5] =	wrdreg $0x9  }
0xb2: {  	_ =	task.clear_ibuf [dreg:s7], $0x6FFFF;
	_ =	strace $0x90000046  }
0xb3: {  	s29 =	simm.s32 $0x9;
	_ =	strace $0x80000048  }
0xb4: {  	_ =	swait.ge [sflag:s29], $0x1  }
0xb5: {  	[sflag:s29] =	ssyncadd.s32 $0xFFFFFFFF  }
0xb6: {  	_ =	strace $0x90000048  }
0xb7: {  	_ =	sfence  }
0xb8: {  	s30 =	sld [smem:$0x0];
	_ =	sdelay $0x2  }
0xb9: {  	s31 =	sshll.u32 s1, $0xD;
	s1 =	sshrl.u32 s1, $0x2  }
0xba: {  	s3 =	sand.u32 $0x4000, s31;
	s1 =	sadd.s32 s1, s30  }
0xbb: {  	s0 =	sor.u32 s3, s0;
	s1 =	sshll.u32 s1, $0x11  }
0xbc: {  	s0 =	sor.u32 s1, s0  }
0xbd: {  	s0 =	sadd.s32 $0x8F2B, s0  }
0xbe: {  	[sflag:s0] =	ssyncadd.remote.s32 $0x1  }
0xbf: {  	_ =	sfence.sel $0xFFFF  }
0xc0: {  	[dreg:$0x0] =	wrdreg $0xFFFFFFFF;
	(pc) =	sbr.abs _section_cstart, $3  }
0xc1: {  	[dreg:$0x1] =	wrdreg $0xFFFFFFFF  }
0xc2: {  	_ =	task.clear_ibuf [dreg:s7], $0x2FFFF;
	_ =	strace $0x9FFFFFFF  }
0xc3: {  	(tm) =	ssettm $0x7FFFFFFF  }
tec
execute0_lowered:
.L_overlay_start_1:
0x0: {  	(tag) =	ssettag $0x1  }
0x1: {  	s4 =	rddreg [dreg:$0x0]  }
0x2: {  	s5 =	rddreg [dreg:$0x1]  }
0x3: {  	s2 =	rddreg [dreg:$0x2]  }
0x4: {  	s0 =	rddreg [dreg:$0x3]  }
0x5: {  	s1 =	stileid.u32;
	s6 =	srdreg.scid;
	s3 =	simm.s32 $0x0  }
0x6: {  	s13 =	simm.s32 $0xCBA0;
	s14 =	simm.s32 $0xCC20;
	s15 =	simm.s32 $0xCCA0  }
0x7: {  	s16 =	simm.s32 $0xCD20;
	s17 =	simm.s32 $0xCDA0;
	s18 =	simm.s32 $0xCE20  }
0x8: {  	s19 =	simm.s32 $0xCEA0;
	s20 =	simm.s32 $0x1;
	s7 =	smul.u32 $0x1900, s1  }
0x9: {  	s21 =	simm.s32 $0xCF20;
	s22 =	simm.s32 $0x0;
	s8 =	smul.u32 $0xC350, s1  }
0xa: {  	s9 =	sand.u32 $0x1, s6;
	[smem:$0x7FF] =	sst s3;
	s11 =	smul.u32 $0x30D40, s1  }
0xb: {  	s6 =	ssub.s32 $0x2, s9;
	_ =	strace $0x80000047;
	p0 =	sne.s32 s9, $0x0  }
.Ltmp0:
0xc: {  	s9 =	simm.s32 $0xC350;
	s10 =	sshrl.u32 s6, $0x1;
	(pc) =	sbr.rel .LBB2_1-.Ltmp0, $4  }
0xd: {  	s12 =	sadd.s32 s7, s4;
	s30 =	sshrl.u32 s8, $0x3;
	s4 =	sadd.s32 s8, s2  }
0xe: {  	s31 =	sshrl.u32 s11, $0x2;
	s11 =	simm.s32 $0xCB20;
	s6 =	ssub.s32 s6, s10  }
0xf: {  	s5 =	sadd.s32 s5, s30;
	s7 =	sadd.s32 s31, s2;
	s8 =	sadd.s32 $0x400, s12  }
0x10: {  	v0 =	vimm.f32 $1.000000000e+00;
	s10 =	simm.s32 $0x2;
	s12 =	simm.s32 $0x7D;
	s6 =	smax.u32 s6, $0x1  }
.LBB2_13:
0x11: {  	[bflag:$0x0] =	sbarrier.arrive $0xFFFF  }
0x12: {  	[bflag:$0x0] =	sbarrier.arrive $0xFFFF  }
.LBB2_11:
0x13: {  	s22 =	sadd.s32 $0x1, s22  }
0x14: {  	p1 =	sne.s32 s22, s6  }
.Ltmp1:
0x15: {  	_ = 	snop;
	(pc) =	sbr.rel @!p1 .LBB2_12-.Ltmp1, $1  }
0x16: {  	_ =	sdelay $0x3  }
.LBB2_1:
0x17: {  	s23 =	simm.s32 $0x40;
	s24 =	simm.s32 $0x0  }
.LBB2_2:
0x18: {  	p1 =	sne.s32 s23, $0x1F00;
	[tilespmem:s24+$0xC350] =	vst v0;
	s24 =	smov.u32 s23;
	s23 =	sadd.s32 $0x40, s23  }
.Ltmp2:
0x19: {  	(pc) =	sbr.rel @p1 .LBB2_2-.Ltmp2, $2  }
0x1a: {  	_ =	sdelay $0x2  }
0x1b: {  	s24 =	sshra.s32 s24, $0x2  }
.Ltmp3:
0x1c: {  	(pc) =	sbr.rel @p0 .LBB2_13-.Ltmp3, $2  }
0x1d: {  	_ =	sdelay $0x2  }
0x1e: {  	[tilespmem:s24+$0xC350] =	vst v0  }
0x1f: {  	s23 =	sadd.s32 $0x0, s7  }
0x20: {  	[spmem:s23] =	stream.linear.scatter [tilespmem:s9], [sflag:$0x2], $0x7D0, $0x38;
	[tilespmem:$0x19270] =	vst v63  }
0x21: {  	s23 =	simm.s32 $0x1F40;
	_ =	swait.ge [sflag:s10], $0x7D0  }
.LBB2_5:
0x22: {  	s24 =	sshra.s32 s23, $0x2;
	[sflag:s10] =	ssyncset.done $0x0;
	p1 =	sne.s32 s23, $0x2EE00  }
.Ltmp4:
0x23: {  	s24 =	sadd.s32 s24, s7;
	[sflag:s10] =	ssyncadd.s32 $0xFFFFF830;
	(pc) =	sbr.rel @p1 .LBB2_5-.Ltmp4, $3  }
0x24: {  	[spmem:s24] =	stream.linear.scatter [tilespmem:s9], [sflag:$0x2], $0x7D0, $0x38;
	[tilespmem:$0x19270] =	vst v63  }
0x25: {  	s23 =	sadd.s32 $0x1F40, s23;
	_ =	sdelay $0x1  }
0x26: {  	_ =	swait.ge [sflag:s10], $0x7D0  }
0x27: {  	[sflag:s10] =	ssyncset.done $0x0  }
0x28: {  	[sflag:s10] =	ssyncadd.s32 $0xFFFFF830  }
0x29: {  	s23 =	sadd.s32 $0x0, s8;
	[bflag:$0x0] =	sbarrier.arrive $0xFFFF  }
0x2a: {  	[tilespmem:s11], [sflag:$0x2] =	stream.linear.gather [hbm4b:s23+s3], $0x400, $0x38;
	[tilespmem:$0x19270] =	vst v63  }
0x2b: {  	_ =	swait.ge [sflag:s10], $0x400  }
0x2c: {  	[sflag:s10] =	ssyncset.done $0x0  }
0x2d: {  	[sflag:s10] =	ssyncadd.s32 $0xFFFFFC00  }
0x2e: {  	[spmem:s2] =	stream.indirect.scatter.add.f32 [tilespmem:s9], [sflag:$0x1], $0x10, s11, s12, $0xb8;
	[tilespmem:$0x19270] =	vst v63  }
0x2f: {  	_ = 	snop  }
0x30: {  	[spmem:s2] =	stream.indirect.scatter.add.f32 [tilespmem:s9], [sflag:$0x1], $0x10, s13, s12, $0xb8;
	[tilespmem:$0x19270] =	vst v63  }
0x31: {  	_ = 	snop  }
0x32: {  	[spmem:s2] =	stream.indirect.scatter.add.f32 [tilespmem:s9], [sflag:$0x1], $0x10, s14, s12, $0xb8;
	[tilespmem:$0x19270] =	vst v63  }
0x33: {  	_ = 	snop  }
0x34: {  	[spmem:s2] =	stream.indirect.scatter.add.f32 [tilespmem:s9], [sflag:$0x1], $0x10, s15, s12, $0xb8;
	[tilespmem:$0x19270] =	vst v63  }
0x35: {  	_ = 	snop  }
0x36: {  	[spmem:s2] =	stream.indirect.scatter.add.f32 [tilespmem:s9], [sflag:$0x1], $0x10, s16, s12, $0xb8;
	[tilespmem:$0x19270] =	vst v63  }
0x37: {  	_ = 	snop  }
0x38: {  	[spmem:s2] =	stream.indirect.scatter.add.f32 [tilespmem:s9], [sflag:$0x1], $0x10, s17, s12, $0xb8;
	[tilespmem:$0x19270] =	vst v63  }
0x39: {  	_ = 	snop  }
0x3a: {  	[spmem:s2] =	stream.indirect.scatter.add.f32 [tilespmem:s9], [sflag:$0x1], $0x10, s18, s12, $0xb8;
	[tilespmem:$0x19270] =	vst v63  }
0x3b: {  	_ = 	snop  }
0x3c: {  	[spmem:s2] =	stream.indirect.scatter.add.f32 [tilespmem:s9], [sflag:$0x1], $0x10, s19, s12, $0xb8;
	[tilespmem:$0x19270] =	vst v63  }
0x3d: {  	_ =	swait.ge [sflag:s20], $0x7D0  }
0x3e: {  	[sflag:s20] =	ssyncset.done $0x0  }
0x3f: {  	[sflag:s20] =	ssyncadd.s32 $0xFFFFF830  }
0x40: {  	_ =	swait.ge [sflag:s20], $0x7D0  }
0x41: {  	[sflag:s20] =	ssyncset.done $0x0  }
0x42: {  	[sflag:s20] =	ssyncadd.s32 $0xFFFFF830  }
0x43: {  	_ =	swait.ge [sflag:s20], $0x7D0  }
0x44: {  	[sflag:s20] =	ssyncset.done $0x0  }
0x45: {  	[sflag:s20] =	ssyncadd.s32 $0xFFFFF830  }
0x46: {  	_ =	swait.ge [sflag:s20], $0x7D0  }
0x47: {  	[sflag:s20] =	ssyncset.done $0x0  }
0x48: {  	[sflag:s20] =	ssyncadd.s32 $0xFFFFF830  }
0x49: {  	_ =	swait.ge [sflag:s20], $0x7D0  }
0x4a: {  	[sflag:s20] =	ssyncset.done $0x0  }
0x4b: {  	[sflag:s20] =	ssyncadd.s32 $0xFFFFF830  }
0x4c: {  	_ =	swait.ge [sflag:s20], $0x7D0  }
0x4d: {  	[sflag:s20] =	ssyncset.done $0x0  }
0x4e: {  	[sflag:s20] =	ssyncadd.s32 $0xFFFFF830  }
0x4f: {  	_ =	swait.ge [sflag:s20], $0x7D0  }
0x50: {  	[sflag:s20] =	ssyncset.done $0x0  }
0x51: {  	[sflag:s20] =	ssyncadd.s32 $0xFFFFF830  }
0x52: {  	_ =	swait.ge [sflag:s20], $0x7D0  }
0x53: {  	s25 =	simm.s32 $0x100;
	s23 =	simm.s32 $0x80;
	[sflag:s20] =	ssyncset.done $0x0  }
.LBB2_7:
0x54: {  	s26 =	sadd.s32 s23, s8  }
0x55: {  	[sflag:s20] =	ssyncadd.s32 $0xFFFFF830;
	s23 =	smov.u32 s25;
	s24 =	sadd.s32 $0x80, s25  }
0x56: {  	[tilespmem:s11], [sflag:$0x2] =	stream.linear.gather [hbm4b:s26+s3], $0x400, $0x38;
	[tilespmem:$0x19270] =	vst v63  }
0x57: {  	p1 =	seq.s32 s25, $0x1880;
	_ =	swait.ge [sflag:s10], $0x400  }
0x58: {  	[sflag:s10] =	ssyncset.done $0x0  }
0x59: {  	[sflag:s10] =	ssyncadd.s32 $0xFFFFFC00  }
0x5a: {  	[spmem:s2] =	stream.indirect.scatter.add.f32 [tilespmem:s9], [sflag:$0x1], $0x10, s11, s12, $0xb8;
	[tilespmem:$0x19270] =	vst v63  }
0x5b: {  	_ = 	snop  }
0x5c: {  	[spmem:s2] =	stream.indirect.scatter.add.f32 [tilespmem:s9], [sflag:$0x1], $0x10, s13, s12, $0xb8;
	[tilespmem:$0x19270] =	vst v63  }
0x5d: {  	_ = 	snop  }
0x5e: {  	[spmem:s2] =	stream.indirect.scatter.add.f32 [tilespmem:s9], [sflag:$0x1], $0x10, s14, s12, $0xb8;
	[tilespmem:$0x19270] =	vst v63  }
0x5f: {  	_ = 	snop  }
0x60: {  	[spmem:s2] =	stream.indirect.scatter.add.f32 [tilespmem:s9], [sflag:$0x1], $0x10, s15, s12, $0xb8;
	[tilespmem:$0x19270] =	vst v63  }
0x61: {  	_ = 	snop  }
0x62: {  	[spmem:s2] =	stream.indirect.scatter.add.f32 [tilespmem:s9], [sflag:$0x1], $0x10, s16, s12, $0xb8;
	[tilespmem:$0x19270] =	vst v63  }
0x63: {  	_ = 	snop  }
0x64: {  	[spmem:s2] =	stream.indirect.scatter.add.f32 [tilespmem:s9], [sflag:$0x1], $0x10, s17, s12, $0xb8;
	[tilespmem:$0x19270] =	vst v63  }
0x65: {  	_ = 	snop  }
0x66: {  	[spmem:s2] =	stream.indirect.scatter.add.f32 [tilespmem:s9], [sflag:$0x1], $0x10, s18, s12, $0xb8;
	[tilespmem:$0x19270] =	vst v63  }
0x67: {  	_ = 	snop  }
0x68: {  	[spmem:s2] =	stream.indirect.scatter.add.f32 [tilespmem:s9], [sflag:$0x1], $0x10, s19, s12, $0xb8;
	[tilespmem:$0x19270] =	vst v63  }
0x69: {  	_ =	swait.ge [sflag:s20], $0x7D0  }
0x6a: {  	[sflag:s20] =	ssyncset.done $0x0  }
0x6b: {  	[sflag:s20] =	ssyncadd.s32 $0xFFFFF830  }
0x6c: {  	_ =	swait.ge [sflag:s20], $0x7D0  }
0x6d: {  	[sflag:s20] =	ssyncset.done $0x0  }
0x6e: {  	[sflag:s20] =	ssyncadd.s32 $0xFFFFF830  }
0x6f: {  	_ =	swait.ge [sflag:s20], $0x7D0  }
0x70: {  	[sflag:s20] =	ssyncset.done $0x0  }
0x71: {  	[sflag:s20] =	ssyncadd.s32 $0xFFFFF830  }
0x72: {  	_ =	swait.ge [sflag:s20], $0x7D0  }
0x73: {  	[sflag:s20] =	ssyncset.done $0x0  }
0x74: {  	[sflag:s20] =	ssyncadd.s32 $0xFFFFF830  }
0x75: {  	_ =	swait.ge [sflag:s20], $0x7D0  }
0x76: {  	[sflag:s20] =	ssyncset.done $0x0  }
0x77: {  	[sflag:s20] =	ssyncadd.s32 $0xFFFFF830  }
0x78: {  	_ =	swait.ge [sflag:s20], $0x7D0  }
0x79: {  	[sflag:s20] =	ssyncset.done $0x0  }
0x7a: {  	[sflag:s20] =	ssyncadd.s32 $0xFFFFF830  }
.Ltmp5:
0x7b: {  	_ =	swait.ge [sflag:s20], $0x7D0;
	(pc) =	sbr.rel @!p1 .LBB2_7-.Ltmp5, $4  }
0x7c: {  	[sflag:s20] =	ssyncset.done $0x0  }
0x7d: {  	[sflag:s20] =	ssyncadd.s32 $0xFFFFF830  }
0x7e: {  	_ =	swait.ge [sflag:s20], $0x7D0  }
0x7f: {  	s25 =	smov.u32 s24;
	[sflag:s20] =	ssyncset.done $0x0  }
0x80: {  	s23 =	sadd.s32 s23, s8;
	[sflag:s20] =	ssyncadd.s32 $0xFFFFF830  }
0x81: {  	[tilespmem:s11], [sflag:$0x2] =	stream.linear.gather [hbm4b:s23+s3], $0x400, $0x38;
	[tilespmem:$0x19270] =	vst v63  }
0x82: {  	_ =	swait.ge [sflag:s10], $0x400  }
0x83: {  	[sflag:s10] =	ssyncset.done $0x0  }
0x84: {  	[sflag:s10] =	ssyncadd.s32 $0xFFFFFC00  }
0x85: {  	[spmem:s2] =	stream.indirect.scatter.add.f32 [tilespmem:s9], [sflag:$0x1], $0x10, s11, s12, $0xb8;
	[tilespmem:$0x19270] =	vst v63  }
0x86: {  	_ = 	snop  }
0x87: {  	[spmem:s2] =	stream.indirect.scatter.add.f32 [tilespmem:s9], [sflag:$0x1], $0x10, s13, s12, $0xb8;
	[tilespmem:$0x19270] =	vst v63  }
0x88: {  	_ = 	snop  }
0x89: {  	[spmem:s2] =	stream.indirect.scatter.add.f32 [tilespmem:s9], [sflag:$0x1], $0x10, s14, s12, $0xb8;
	[tilespmem:$0x19270] =	vst v63  }
0x8a: {  	_ = 	snop  }
0x8b: {  	[spmem:s2] =	stream.indirect.scatter.add.f32 [tilespmem:s9], [sflag:$0x1], $0x10, s15, s12, $0xb8;
	[tilespmem:$0x19270] =	vst v63  }
0x8c: {  	_ = 	snop  }
0x8d: {  	[spmem:s2] =	stream.indirect.scatter.add.f32 [tilespmem:s9], [sflag:$0x1], $0x10, s16, s12, $0xb8;
	[tilespmem:$0x19270] =	vst v63  }
0x8e: {  	_ = 	snop  }
0x8f: {  	[spmem:s2] =	stream.indirect.scatter.add.f32 [tilespmem:s9], [sflag:$0x1], $0x10, s17, s12, $0xb8;
	[tilespmem:$0x19270] =	vst v63  }
0x90: {  	_ = 	snop  }
0x91: {  	[spmem:s2] =	stream.indirect.scatter.add.f32 [tilespmem:s9], [sflag:$0x1], $0x10, s18, s12, $0xb8;
	[tilespmem:$0x19270] =	vst v63  }
0x92: {  	_ = 	snop  }
0x93: {  	[spmem:s2] =	stream.indirect.scatter.add.f32 [tilespmem:s9], [sflag:$0x1], $0x10, s19, s12, $0xb8;
	[tilespmem:$0x19270] =	vst v63  }
0x94: {  	_ =	swait.ge [sflag:s20], $0x7D0  }
0x95: {  	[sflag:s20] =	ssyncset.done $0x0  }
0x96: {  	[sflag:s20] =	ssyncadd.s32 $0xFFFFF830  }
0x97: {  	_ =	swait.ge [sflag:s20], $0x7D0  }
0x98: {  	[sflag:s20] =	ssyncset.done $0x0  }
0x99: {  	[sflag:s20] =	ssyncadd.s32 $0xFFFFF830  }
0x9a: {  	_ =	swait.ge [sflag:s20], $0x7D0  }
0x9b: {  	[sflag:s20] =	ssyncset.done $0x0  }
0x9c: {  	[sflag:s20] =	ssyncadd.s32 $0xFFFFF830  }
0x9d: {  	_ =	swait.ge [sflag:s20], $0x7D0  }
0x9e: {  	[sflag:s20] =	ssyncset.done $0x0  }
0x9f: {  	[sflag:s20] =	ssyncadd.s32 $0xFFFFF830  }
0xa0: {  	_ =	swait.ge [sflag:s20], $0x7D0  }
0xa1: {  	[sflag:s20] =	ssyncset.done $0x0  }
0xa2: {  	[sflag:s20] =	ssyncadd.s32 $0xFFFFF830  }
0xa3: {  	_ =	swait.ge [sflag:s20], $0x7D0  }
0xa4: {  	[sflag:s20] =	ssyncset.done $0x0  }
0xa5: {  	[sflag:s20] =	ssyncadd.s32 $0xFFFFF830  }
0xa6: {  	_ =	swait.ge [sflag:s20], $0x7D0  }
0xa7: {  	[sflag:s20] =	ssyncset.done $0x0  }
0xa8: {  	[sflag:s20] =	ssyncadd.s32 $0xFFFFF830  }
0xa9: {  	_ =	swait.ge [sflag:s20], $0x7D0  }
0xaa: {  	[sflag:s20] =	ssyncset.done $0x0  }
0xab: {  	[sflag:s20] =	ssyncadd.s32 $0xFFFFF830  }
0xac: {  	[bflag:$0x0] =	sbarrier.arrive $0xFFFF  }
0xad: {  	[tilespmem:s21], [sflag:$0x2] =	stream.linear.gather [spmem:s4], $0xC350, $0x38;
	[tilespmem:$0x19270] =	vst v63  }
0xae: {  	_ =	swait.ge [sflag:s10], $0xC350  }
0xaf: {  	[sflag:s10] =	ssyncset.done $0x0  }
0xb0: {  	s24 =	simm.s32 $0x40;
	s23 =	simm.s32 $0x0;
	[sflag:s10] =	ssyncadd.s32 $0xFFFF3CB0  }
.LBB2_9:
0xb1: {  	p1 =	sne.s32 s24, $0x30D00;
	v1 =	vld [tilespmem:s23+$0xCF20];
	_ =	sdelay $0x4  }
0xb2: {  	v2 =	vshra.s32 v1, $0x1;
	v1 =	vmul.f32 $5.000000000e-01, v1  }
0xb3: {  	v2 =	vsub.s32 $0x5F3759DF, v2  }
0xb4: {  	v3 =	vmul.f32 v2, v1;
	_ =	sdelay $0x1  }
0xb5: {  	v3 =	vmul.f32 v2, v3;
	_ =	sdelay $0x1  }
0xb6: {  	v3 =	vsub.f32 $1.500000000e+00, v3;
	_ =	sdelay $0x1  }
0xb7: {  	v2 =	vmul.f32 v2, v3;
	_ =	sdelay $0x1  }
0xb8: {  	v3 =	vmul.f32 v2, v1;
	_ =	sdelay $0x1  }
0xb9: {  	v3 =	vmul.f32 v3, v2;
	_ =	sdelay $0x1  }
0xba: {  	v3 =	vsub.f32 $1.500000000e+00, v3;
	_ =	sdelay $0x1  }
0xbb: {  	v2 =	vmul.f32 v3, v2;
	_ =	sdelay $0x1  }
0xbc: {  	v1 =	vmul.f32 v2, v1;
	_ =	sdelay $0x1  }
0xbd: {  	v1 =	vmul.f32 v1, v2;
	_ =	sdelay $0x1  }
.Ltmp6:
0xbe: {  	v1 =	vsub.f32 $1.500000000e+00, v1;
	(pc) =	sbr.rel @p1 .LBB2_9-.Ltmp6, $3  }
0xbf: {  	_ = 	snop  }
0xc0: {  	v1 =	vmul.f32 v1, v2;
	_ =	sdelay $0x1  }
0xc1: {  	[tilespmem:s23+$0xCF20] =	vst v1;
	s23 =	sshra.s32 s24, $0x2;
	s24 =	sadd.s32 $0x40, s24  }
0xc2: {  	v1 =	vld [tilespmem:s23+$0xCF20];
	_ =	sdelay $0x4  }
0xc3: {  	v2 =	vshra.s32 v1, $0x1;
	v1 =	vmul.f32 $5.000000000e-01, v1  }
0xc4: {  	v2 =	vsub.s32 $0x5F3759DF, v2  }
0xc5: {  	v3 =	vmul.f32 v2, v1;
	_ =	sdelay $0x1  }
0xc6: {  	v3 =	vmul.f32 v2, v3;
	_ =	sdelay $0x1  }
0xc7: {  	v3 =	vsub.f32 $1.500000000e+00, v3;
	_ =	sdelay $0x1  }
0xc8: {  	v2 =	vmul.f32 v2, v3;
	_ =	sdelay $0x1  }
0xc9: {  	v3 =	vmul.f32 v2, v1;
	_ =	sdelay $0x1  }
0xca: {  	v3 =	vmul.f32 v3, v2;
	_ =	sdelay $0x1  }
0xcb: {  	v3 =	vsub.f32 $1.500000000e+00, v3;
	_ =	sdelay $0x1  }
0xcc: {  	v2 =	vmul.f32 v3, v2;
	_ =	sdelay $0x1  }
0xcd: {  	v1 =	vmul.f32 v2, v1;
	_ =	sdelay $0x1  }
0xce: {  	v1 =	vmul.f32 v1, v2;
	_ =	sdelay $0x1  }
0xcf: {  	v1 =	vsub.f32 $1.500000000e+00, v1;
	_ =	sdelay $0x1  }
0xd0: {  	v1 =	vmul.f32 v1, v2;
	_ =	sdelay $0x1  }
.Ltmp7:
0xd1: {  	[tilespmem:s23+$0xCF20] =	vst v1;
	(pc) =	sbr.rel .LBB2_11-.Ltmp7, $4  }
0xd2: {  	[hbm4b:s5+s3] =	stream.linear.scatter [tilespmem:s21], [sflag:$0x2], $0xC350, $0x38;
	[tilespmem:$0x19270] =	vst v63  }
0xd3: {  	_ =	swait.ge [sflag:s10], $0xC350  }
0xd4: {  	[sflag:s10] =	ssyncset.done $0x0  }
0xd5: {  	[sflag:s10] =	ssyncadd.s32 $0xFFFF3CB0  }
.LBB2_12:
0xd6: {  	_ =	sfence.sel $0x180000  }
0xd7: {  	[bflag:$0x0] =	sbarrier.arrive $0xFFFF  }
0xd8: {  	p0 =	sne.s32 s1, $0x0;
	_ =	strace $0x90000047  }
0xd9: {  	s0 =	sadd.s32 @!p0 $0x100000, s0;
	[bflag:$0x2] =	sbarrier.arrive $0xFFFF  }
0xda: {  	[sflag:s0] =	ssyncadd.tile.s32 @!p0 $0x1;
	_ =	shalt  }
.Lfunc_end2:
_tile_overlayer_lowered:
.L_overlay_start_2:
0xdb: {  	(tag) =	ssettag $0x2  }
0xdc: {  	s0 =	rddreg [dreg:$0x0];
	s2 =	stileid.u32  }
0xdd: {  	s1 =	rddreg [dreg:$0x1];
	p0 =	sne.s32 s2, $0x0  }
0xde: {  	s3 =	rddreg [dreg:$0x2];
	[bflag:$0x3] =	sbarrier.arrive $0xFFFF;
	s2 =	simm.s32 @!p0 $0x1C02  }
0xdf: {  	[timem:s3], [sflag:s2] =	dma.local @!p0 [hbm:s0], s1  }
0xe0: {  	s0 =	simm.s32 @!p0 $0x2  }
0xe1: {  	_ =	swait.ge @!p0 [sflag:s0], s1  }
0xe2: {  	s1 =	ssub.s32 @!p0 $0x0, s1;
	[sflag:s0] =	ssyncset.done @!p0 $0x0  }
0xe3: {  	[sflag:s0] =	ssyncadd.s32 @!p0 s1  }
0xe4: {  	[bflag:$0x3] =	sbarrier.arrive $0xFFFF  }
0xe5: {  	_ =	shalt  }

</sc_bundles>
